<compile_context>
chip_gen: v7x
topology: tpu7x:2x2x1
jax: 0.10.2.dev20260603
libtpu: 0.0.44.dev20260713+nightly
codegen_flags: <defaults>
</compile_context>

<pallas_src>
import functools

import jax
import jax.numpy as jnp
from jax import lax
from jax.experimental import pallas as pl
from jax.experimental.pallas import tpu as pltpu, tpu_sc as plsc

_info = plsc.get_sparse_core_info()
_NC, _NS = _info.num_cores, _info.num_subcores
_NW = _NC * _NS


def _embed_lookup(city2d, table):
    n_rows = city2d.shape[1]
    v, d = table.shape
    nc = d // 16
    mesh = plsc.VectorSubcoreMesh(core_axis_name="c", subcore_axis_name="s")

    @functools.partial(
        pl.kernel,
        mesh=mesh,
        out_type=jax.ShapeDtypeStruct((_NW * n_rows, d), jnp.float32),
        scratch_types=[
            pltpu.VMEM((n_rows,), jnp.int32),
            pltpu.VMEM((v, d), jnp.float32),
            pltpu.VMEM((n_rows, d), jnp.float32),
            pltpu.SemaphoreType.DMA,
        ],
        compiler_params=pltpu.CompilerParams(needs_layout_passes=False),
    )
    def k(tab_hbm, idx_hbm, out_hbm, idx_v, tab_v, rows_v, isem):
        wid = lax.axis_index("s") * _NC + lax.axis_index("c")
        ld_tab = pltpu.async_copy(tab_hbm, tab_v, isem)
        ld_idx = pltpu.async_copy(idx_hbm.at[wid], idx_v, isem)
        ld_tab.wait()
        ld_idx.wait()

        cols = [lax.iota(jnp.int32, 16) + c * 16 for c in range(nc)]

        @plsc.parallel_loop(0, n_rows, unroll=16)
        def body(i):
            row_splat = plsc.load_gather(idx_v, [jnp.full((16,), i, jnp.int32)])
            for c in range(nc):
                rows_v[i, pl.ds(c * 16, 16)] = plsc.load_gather(
                    tab_v, [row_splat, cols[c]]
                )

        pltpu.sync_copy(rows_v, out_hbm.at[pl.ds(wid * n_rows, n_rows)])

    return k(table, city2d)


def kernel(city, table):
    b = city.shape[0]
    city2d = city.astype(jnp.int32).reshape(_NW, b // _NW)
    return _embed_lookup(city2d, table)

# --- scband reference (transcript-rebuilt; emitter-appended) ---
"""Pipeline reference for scband-city-embedding-model-463856468057 (READ-ONLY COPY).

The authoritative reference and input builder live on the scoring server;
editing this copy changes nothing except your own understanding.
"""

import jax, jax.numpy as jnp
import numpy as np

EMBED_SIZE = 64
NUM_EMBEDDINGS = 5
BATCH = 16384

def setup_inputs(seed: int = 0) -> dict:
    key = jax.random.key(seed)
    k_idx, k_tab = jax.random.split(key)
    city = jax.random.randint(k_idx, (BATCH,), 0, NUM_EMBEDDINGS, dtype=jnp.int64 if jax.config.jax_enable_x64 else jnp.int32)
    table = jax.random.normal(k_tab, (NUM_EMBEDDINGS, EMBED_SIZE), dtype=jnp.float32)
    return {"city": city, "table": table}

def reference(city, table):
    # nn.Embedding forward: row gather from the embedding table
    return jnp.take(table, city, axis=0)

if __name__ == "__main__":
    import jax
    _d = setup_inputs()
    print(jax.jit(kernel)(*tuple(_d.values())))

</pallas_src>

<mosaic_0001>
#map = affine_map<(d0, d1) -> (0, 0)>
module attributes {stable_mosaic.version = 14 : i64} {
  func.func @k(%arg0: i32, %arg1: i32, %arg2: memref<5x64xf32, #tpu.memory_space<hbm>>, %arg3: memref<32x512xi32, #tpu.memory_space<hbm>>, %arg4: memref<16384x64xf32, #tpu.memory_space<hbm>>, %arg5: memref<512xi32, #tpu.memory_space<vmem>>, %arg6: memref<5x64xf32, #tpu.memory_space<vmem>>, %arg7: memref<512x64xf32, #tpu.memory_space<vmem>>, %arg8: memref<!tpu.dma_semaphore, #tpu.memory_space<semaphore_mem>>) attributes {dimension_semantics = [#tpu.dimension_semantics<core_parallel>, #tpu.dimension_semantics<subcore_parallel>], iteration_bounds = array<i64: 2, 16>, scalar_prefetch = 0 : i64, scratch_operands = 4 : i64, tpu.core_type = #tpu.core_type<sc_vector_subcore>, window_params = [{transform_indices = #map}, {transform_indices = #map}, {transform_indices = #map}]} {
    %mul3A = arith.constant 2 : i32
    %mul3A_0 = arith.muli %arg1, %mul3A : i32
    %add3A = arith.addi %mul3A_0, %arg0 : i32
    tpu.enqueue_dma source(%arg2 : memref<5x64xf32, #tpu.memory_space<hbm>>) target(%arg6 : memref<5x64xf32, #tpu.memory_space<vmem>>) target_semaphore(%arg8 : memref<!tpu.dma_semaphore, #tpu.memory_space<semaphore_mem>>)
    %dma_start3A = arith.constant 0 : i32
    %dma_start3A_1 = tpu.memref_slice %arg3[%add3A, %dma_start3A] : memref<32x512xi32, #tpu.memory_space<hbm>> -> memref<1x512xi32, #tpu.memory_space<hbm>>
    %dma_start3A_2 = tpu.memref_squeeze %dma_start3A_1 : memref<1x512xi32, #tpu.memory_space<hbm>> -> memref<512xi32, #tpu.memory_space<hbm>>
    %dma_start3A_3 = arith.constant 0 : i32
    %dma_start3A_4 = tpu.memref_slice %arg3[%add3A, %dma_start3A_3] : memref<32x512xi32, #tpu.memory_space<hbm>> -> memref<1x512xi32, #tpu.memory_space<hbm>>
    %dma_start3A_5 = tpu.memref_squeeze %dma_start3A_4 : memref<1x512xi32, #tpu.memory_space<hbm>> -> memref<512xi32, #tpu.memory_space<hbm>>
    tpu.enqueue_dma source(%dma_start3A_5 : memref<512xi32, #tpu.memory_space<hbm>>) target(%arg5 : memref<512xi32, #tpu.memory_space<vmem>>) target_semaphore(%arg8 : memref<!tpu.dma_semaphore, #tpu.memory_space<semaphore_mem>>)
    tpu.wait_dma2 semaphore(%arg8 : memref<!tpu.dma_semaphore, #tpu.memory_space<semaphore_mem>>) src(%arg2 : memref<5x64xf32, #tpu.memory_space<hbm>>) dst(%arg6 : memref<5x64xf32, #tpu.memory_space<vmem>>)
    %dma_wait3A = arith.constant 0 : i32
    %dma_wait3A_6 = tpu.memref_slice %arg3[%add3A, %dma_wait3A] : memref<32x512xi32, #tpu.memory_space<hbm>> -> memref<1x512xi32, #tpu.memory_space<hbm>>
    %dma_wait3A_7 = tpu.memref_squeeze %dma_wait3A_6 : memref<1x512xi32, #tpu.memory_space<hbm>> -> memref<512xi32, #tpu.memory_space<hbm>>
    %dma_wait3A_8 = arith.constant 0 : i32
    %dma_wait3A_9 = tpu.memref_slice %arg3[%add3A, %dma_wait3A_8] : memref<32x512xi32, #tpu.memory_space<hbm>> -> memref<1x512xi32, #tpu.memory_space<hbm>>
    %dma_wait3A_10 = tpu.memref_squeeze %dma_wait3A_9 : memref<1x512xi32, #tpu.memory_space<hbm>> -> memref<512xi32, #tpu.memory_space<hbm>>
    tpu.wait_dma2 semaphore(%arg8 : memref<!tpu.dma_semaphore, #tpu.memory_space<semaphore_mem>>) src(%dma_wait3A_10 : memref<512xi32, #tpu.memory_space<hbm>>) dst(%arg5 : memref<512xi32, #tpu.memory_space<vmem>>)
    %iota3A = tpu.iota {dimensions = array<i32: 0>} : vector<16xi32>
    %add3A_11 = arith.constant 0 : i32
    %add3A_12 = vector.broadcast %add3A_11 : i32 to vector<16xi32>
    %add3A_13 = arith.addi %iota3A, %add3A_12 : vector<16xi32>
    %iota3A_14 = tpu.iota {dimensions = array<i32: 0>} : vector<16xi32>
    %add3A_15 = arith.constant 16 : i32
    %add3A_16 = vector.broadcast %add3A_15 : i32 to vector<16xi32>
    %add3A_17 = arith.addi %iota3A_14, %add3A_16 : vector<16xi32>
    %iota3A_18 = tpu.iota {dimensions = array<i32: 0>} : vector<16xi32>
    %add3A_19 = arith.constant 32 : i32
    %add3A_20 = vector.broadcast %add3A_19 : i32 to vector<16xi32>
    %add3A_21 = arith.addi %iota3A_18, %add3A_20 : vector<16xi32>
    %iota3A_22 = tpu.iota {dimensions = array<i32: 0>} : vector<16xi32>
    %add3A_23 = arith.constant 48 : i32
    %add3A_24 = vector.broadcast %add3A_23 : i32 to vector<16xi32>
    %add3A_25 = arith.addi %iota3A_22, %add3A_24 : vector<16xi32>
    %parallel_loop3A = arith.constant 0 : i32
    %parallel_loop3A_26 = arith.constant 512 : i32
    %parallel_loop3A_27 = arith.constant 1 : i32
    scf.for %parallel_loop3A_30 = %parallel_loop3A to %parallel_loop3A_26 step %parallel_loop3A_27  : i32 {
      %parallel_loop3A_31 = vector.broadcast %parallel_loop3A_30 : i32 to vector<16xi32>
      %parallel_loop3A_32 = tpu.vector_load_idx %arg5[%parallel_loop3A_31] : memref<512xi32, #tpu.memory_space<vmem>>[vector<16xi32>], vector<16xi32>,
      %parallel_loop3A_33 = tpu.vector_load_idx %arg6[%parallel_loop3A_32, %add3A_13] : memref<5x64xf32, #tpu.memory_space<vmem>>[vector<16xi32>, vector<16xi32>], vector<16xf32>,
      %parallel_loop3A_34 = arith.index_cast %parallel_loop3A_30 : i32 to index
      %parallel_loop3A_35 = arith.constant 0 : index
      %parallel_loop3A_36 = tpu.vector_load %arg7[%parallel_loop3A_34, %parallel_loop3A_35] {strides = array<i32>} : memref<512x64xf32, #tpu.memory_space<vmem>>, vector<16xf32>,
      tpu.vector_store %arg7[%parallel_loop3A_34, %parallel_loop3A_35], %parallel_loop3A_33 {strides = array<i32>} : memref<512x64xf32, #tpu.memory_space<vmem>>, vector<16xf32>,
      %parallel_loop3A_37 = tpu.vector_load_idx %arg6[%parallel_loop3A_32, %add3A_17] : memref<5x64xf32, #tpu.memory_space<vmem>>[vector<16xi32>, vector<16xi32>], vector<16xf32>,
      %parallel_loop3A_38 = arith.index_cast %parallel_loop3A_30 : i32 to index
      %parallel_loop3A_39 = arith.constant 16 : index
      %parallel_loop3A_40 = tpu.vector_load %arg7[%parallel_loop3A_38, %parallel_loop3A_39] {strides = array<i32>} : memref<512x64xf32, #tpu.memory_space<vmem>>, vector<16xf32>,
      tpu.vector_store %arg7[%parallel_loop3A_38, %parallel_loop3A_39], %parallel_loop3A_37 {strides = array<i32>} : memref<512x64xf32, #tpu.memory_space<vmem>>, vector<16xf32>,
      %parallel_loop3A_41 = tpu.vector_load_idx %arg6[%parallel_loop3A_32, %add3A_21] : memref<5x64xf32, #tpu.memory_space<vmem>>[vector<16xi32>, vector<16xi32>], vector<16xf32>,
      %parallel_loop3A_42 = arith.index_cast %parallel_loop3A_30 : i32 to index
      %parallel_loop3A_43 = arith.constant 32 : index
      %parallel_loop3A_44 = tpu.vector_load %arg7[%parallel_loop3A_42, %parallel_loop3A_43] {strides = array<i32>} : memref<512x64xf32, #tpu.memory_space<vmem>>, vector<16xf32>,
      tpu.vector_store %arg7[%parallel_loop3A_42, %parallel_loop3A_43], %parallel_loop3A_41 {strides = array<i32>} : memref<512x64xf32, #tpu.memory_space<vmem>>, vector<16xf32>,
      %parallel_loop3A_45 = tpu.vector_load_idx %arg6[%parallel_loop3A_32, %add3A_25] : memref<5x64xf32, #tpu.memory_space<vmem>>[vector<16xi32>, vector<16xi32>], vector<16xf32>,
      %parallel_loop3A_46 = arith.index_cast %parallel_loop3A_30 : i32 to index
      %parallel_loop3A_47 = arith.constant 48 : index
      %parallel_loop3A_48 = tpu.vector_load %arg7[%parallel_loop3A_46, %parallel_loop3A_47] {strides = array<i32>} : memref<512x64xf32, #tpu.memory_space<vmem>>, vector<16xf32>,
      tpu.vector_store %arg7[%parallel_loop3A_46, %parallel_loop3A_47], %parallel_loop3A_45 {strides = array<i32>} : memref<512x64xf32, #tpu.memory_space<vmem>>, vector<16xf32>,
    } {sc.loop_unroll_factor = 16 : i64, sc.parallel_access}
    %mul3A_28 = arith.constant 512 : i32
    %mul3A_29 = arith.muli %add3A, %mul3A_28 : i32
    "tpu.region"() ({
      %run_scoped3A = tpu.sem_alloc : memref<!tpu.dma_semaphore, #tpu.memory_space<semaphore_mem>>
      %dma_start3A_30 = arith.constant 0 : i32
      %dma_start3A_31 = tpu.memref_slice %arg4[%mul3A_29, %dma_start3A_30] : memref<16384x64xf32, #tpu.memory_space<hbm>> -> memref<512x64xf32, #tpu.memory_space<hbm>>
      %dma_start3A_32 = arith.constant 0 : i32
      %dma_start3A_33 = tpu.memref_slice %arg4[%mul3A_29, %dma_start3A_32] : memref<16384x64xf32, #tpu.memory_space<hbm>> -> memref<512x64xf32, #tpu.memory_space<hbm>>
      tpu.enqueue_dma source(%arg7 : memref<512x64xf32, #tpu.memory_space<vmem>>) target(%dma_start3A_33 : memref<512x64xf32, #tpu.memory_space<hbm>>) target_semaphore(%run_scoped3A : memref<!tpu.dma_semaphore, #tpu.memory_space<semaphore_mem>>)
      %dma_wait3A_34 = arith.constant 0 : i32
      %dma_wait3A_35 = tpu.memref_slice %arg4[%mul3A_29, %dma_wait3A_34] : memref<16384x64xf32, #tpu.memory_space<hbm>> -> memref<512x64xf32, #tpu.memory_space<hbm>>
      %dma_wait3A_36 = arith.constant 0 : i32
      %dma_wait3A_37 = tpu.memref_slice %arg4[%mul3A_29, %dma_wait3A_36] : memref<16384x64xf32, #tpu.memory_space<hbm>> -> memref<512x64xf32, #tpu.memory_space<hbm>>
      tpu.wait_dma2 semaphore(%run_scoped3A : memref<!tpu.dma_semaphore, #tpu.memory_space<semaphore_mem>>) src(%arg7 : memref<512x64xf32, #tpu.memory_space<vmem>>) dst(%dma_wait3A_37 : memref<512x64xf32, #tpu.memory_space<hbm>>)
      tpu.yield
    }) : () -> ()
    return
  }
}

</mosaic_0001>

<sc_bundles>
// kernel: kernel.3.cloned.1.call-start
scs
__scs_entry_jumppad:
0x0: {  	(pc) =	sbr.rel $0x88, $3  }
0x1: {  	(tag) =	ssettag $0x0;
	lr =	simm.s32 $0x1  }
0x2: {  	[smem:$0x3F9F] =	sst lr;
	_ =	strace $0xD0000000  }
0x3: {  	_ = 	snop  }
0x4: {  	_ = 	snop  }
0x5: {  	_ = 	snop  }
0x6: {  	_ = 	snop  }
0x7: {  	_ = 	snop  }
__scs_overlays_trampoline_lowered:
0x8: {  	[smem:$0x3FAE] =	sst s0  }
0x9: {  	[smem:$0x3FAF] =	sst s1  }
0xa: {  	[smem:$0x3FB0] =	sst s2  }
0xb: {  	[smem:$0x3FB1] =	sst s3  }
0xc: {  	[smem:$0x3FB2] =	sst s4  }
0xd: {  	[smem:$0x3FB3] =	sst s5  }
0xe: {  	[smem:$0x3FB4] =	sst s6  }
0xf: {  	[smem:$0x3FB5] =	sst s7  }
0x10: {  	[smem:$0x3FB6] =	sst s8  }
0x11: {  	[smem:$0x3FB7] =	sst s9;
	s0 =	simm.s32 @!p0 $0x0  }
0x12: {  	s1 =	sld [smem:$0x3F9D];
	s0 =	simm.s32 @p0 $0x1  }
0x13: {  	[smem:$0x3FB8] =	sst s0;
	s0 =	simm.s32 @!p1 $0x0  }
0x14: {  	s2 =	sld [smem:$0x3F9C];
	s0 =	simm.s32 @p1 $0x1  }
0x15: {  	[smem:$0x3FB9] =	sst s0;
	s0 =	simm.s32 @!p2 $0x0  }
0x16: {  	s3 =	sld [smem:$0x3FDB];
	s0 =	simm.s32 @p2 $0x1  }
0x17: {  	s4 =	simm.s32 $0x1BF5;
	[smem:$0x3FBB] =	sst s0  }
0x18: {  	s0 =	sld [smem:$0x3F9E];
	_ =	swait.ge [sflag:s4], $0x0  }
0x19: {  	s7 =	sld [smem:$0x3F9F]  }
0x1a: {  	s8 =	sadd.s32 $0xFFFFE003, lr  }
0x1b: {  	s9 =	sadd.s32 $0xFFFFFEF7, lr;
	s5 =	simm.s32 $0xFFFFFFFF;
	p2 =	slt.u32 s8, $0xFFFFF086  }
0x1c: {  	p1 =	slt.u32 s9, $0xF7A;
	s5 =	simm.s32 @!p2 $0x0  }
0x1d: {  	s5 =	simm.s32 @p1 $0x1;
	p0 =	seq.s32 s7, s2  }
0x1e: {  	s7 =	smul.u32 @!p0 $0xF7A, s2;
	p2 =	seq.s32 @!p0 s5, $0x0  }
0x1f: {  	s9 =	smul.u32 $0xF7A, s1;
	s8 =	simm.s32 @!p0 $0x1BF5;
	p2 =	por !p2, p0  }
0x20: {  	[sflag:s8] =	ssyncset.s32 @!p0 $0xFFFFF086;
	s6 =	sadd.s32 @!p0 s3, s7;
	s7 =	simm.s32 @!p0 $0x108  }
0x21: {  	s3 =	sadd.s32 s3, s9;
	s6 =	sadd.s32 @!p0 $0x88, s6;
	s7 =	simm.s32 @p2 $0x1082  }
0x22: {  	[simem:s7], [sflag:s8] =	dma.local @!p0 [hbm:s6], $0xF7A  }
0x23: {  	s9 =	sor.u32 $0xD0000000, s2;
	s6 =	simm.s32 $0x108;
	_ =	swait.ge @!p0 [sflag:s8], $0x0  }
0x24: {  	s3 =	sadd.s32 $0x88, s3;
	s6 =	simm.s32 @!p1 $0x1082;
	[sflag:s4] =	ssyncset.s32 $0xFFFFF086  }
0x25: {  	[simem:s6], [sflag:s4] =	dma.local [hbm:s3], $0xF7A  }
0x26: {  	[smem:$0x3F9F] =	sst s1;
	(tag) =	ssettag s2;
	_ =	strace s9  }
0x27: {  	s1 =	sld [smem:$0x3FAF]  }
0x28: {  	s2 =	sld [smem:$0x3FB0]  }
0x29: {  	s4 =	sld [smem:$0x3FB2]  }
0x2a: {  	p0 =	seq.s32 s5, $0x0;
	s5 =	sld [smem:$0x3FB3]  }
0x2b: {  	s6 =	sld [smem:$0x3FB4]  }
0x2c: {  	s7 =	sld [smem:$0x3FB5]  }
0x2d: {  	s3 =	simm.s32 $0x108;
	s8 =	sld [smem:$0x3FB6]  }
0x2e: {  	s3 =	simm.s32 @!p0 $0x1082;
	s9 =	sld [smem:$0x3FB7]  }
0x2f: {  	lr =	sadd.s32 s0, s3;
	s0 =	sld [smem:$0x3FAE]  }
0x30: {  	s3 =	sld [smem:$0x3FB1]  }
0x31: {  	[smem:$0x3FBA] =	sst s10  }
0x32: {  	s10 =	sld [smem:$0x3FB8];
	_ =	sdelay $0x3  }
0x33: {  	p0 =	seq.s32 s10, $0x1;
	s10 =	sld [smem:$0x3FBA];
	_ =	sdelay $0x3  }
0x34: {  	[smem:$0x3FBA] =	sst s10  }
0x35: {  	s10 =	sld [smem:$0x3FB9];
	_ =	sdelay $0x3  }
0x36: {  	p1 =	seq.s32 s10, $0x1;
	s10 =	sld [smem:$0x3FBA];
	_ =	sdelay $0x3  }
0x37: {  	[smem:$0x3FBA] =	sst s10  }
0x38: {  	s10 =	sld [smem:$0x3FBB]  }
0x39: {  	_ = 	snop;
	(pc) =	sbr.ind lr, $3  }
0x3a: {  	_ = 	snop  }
0x3b: {  	_ = 	snop  }
0x3c: {  	p2 =	seq.s32 s10, $0x1;
	s10 =	sld [smem:$0x3FBA]  }
0x3d: {  	_ =	shalt  }
0x3e: {  	_ =	shalt  }
0x3f: {  	_ =	shalt  }
0x40: {  	_ =	shalt  }
0x41: {  	_ =	shalt  }
0x42: {  	_ =	shalt  }
0x43: {  	_ =	shalt  }
0x44: {  	_ =	shalt  }
0x45: {  	_ =	shalt  }
0x46: {  	_ =	shalt  }
0x47: {  	_ =	shalt  }
0x48: {  	_ =	shalt  }
0x49: {  	_ =	shalt  }
0x4a: {  	_ =	shalt  }
0x4b: {  	_ =	shalt  }
0x4c: {  	_ =	shalt  }
0x4d: {  	_ =	shalt  }
0x4e: {  	_ =	shalt  }
0x4f: {  	_ =	shalt  }
0x50: {  	_ =	shalt  }
0x51: {  	_ =	shalt  }
0x52: {  	_ =	shalt  }
0x53: {  	_ =	shalt  }
0x54: {  	_ =	shalt  }
0x55: {  	_ =	shalt  }
0x56: {  	_ =	shalt  }
0x57: {  	_ =	shalt  }
0x58: {  	_ =	shalt  }
0x59: {  	_ =	shalt  }
0x5a: {  	_ =	shalt  }
0x5b: {  	_ =	shalt  }
0x5c: {  	_ =	shalt  }
0x5d: {  	_ =	shalt  }
0x5e: {  	_ =	shalt  }
0x5f: {  	_ =	shalt  }
0x60: {  	_ =	shalt  }
0x61: {  	_ =	shalt  }
0x62: {  	_ =	shalt  }
0x63: {  	_ =	shalt  }
0x64: {  	_ =	shalt  }
0x65: {  	_ =	shalt  }
0x66: {  	_ =	shalt  }
0x67: {  	_ =	shalt  }
0x68: {  	_ =	shalt  }
0x69: {  	_ =	shalt  }
0x6a: {  	_ =	shalt  }
0x6b: {  	_ =	shalt  }
0x6c: {  	_ =	shalt  }
0x6d: {  	_ =	shalt  }
0x6e: {  	_ =	shalt  }
0x6f: {  	_ =	shalt  }
0x70: {  	_ =	shalt  }
0x71: {  	_ =	shalt  }
0x72: {  	_ =	shalt  }
0x73: {  	_ =	shalt  }
0x74: {  	_ =	shalt  }
0x75: {  	_ =	shalt  }
0x76: {  	_ =	shalt  }
0x77: {  	_ =	shalt  }
0x78: {  	_ =	shalt  }
0x79: {  	_ =	shalt  }
0x7a: {  	_ =	shalt  }
0x7b: {  	_ =	shalt  }
0x7c: {  	_ =	shalt  }
0x7d: {  	_ =	shalt  }
0x7e: {  	_ =	shalt  }
0x7f: {  	_ =	shalt  }
0x80: {  	_ =	shalt  }
0x81: {  	_ =	shalt  }
0x82: {  	_ =	shalt  }
0x83: {  	_ =	shalt  }
0x84: {  	_ =	shalt  }
0x85: {  	_ =	shalt  }
0x86: {  	_ =	shalt  }
0x87: {  	_ =	shalt  }
.Lfunc_end0:
.L_simem_size_0:
called_computation_lowered:
.L_overlay_start_0:
0x88: {  	s2 =	sld [smem:$0x3FD9]  }
0x89: {  	s3 =	sld [smem:$0x3FFE];
	_ =	sdelay $0x1  }
0x8a: {  	s1 =	srdreg.scid  }
0x8b: {  	s0 =	sand.u32 $0x1, s1  }
0x8c: {  	s17 =	sshll.u32 s0, $0xA;
	s2 =	sadd.s32 s3, s2  }
0x8d: {  	s2 =	sadd.s32 s2, s17  }
0x8e: {  	[smem:$0x3FC6] =	sst s2  }
0x8f: {  	_ = 	snop  }
0x90: {  	s2 =	sld [smem:$0x3FC8]  }
0x91: {  	s18 =	sld [smem:$0x3FD0];
	(tm) =	ssettm $0x1  }
0x92: {  	s4 =	sld [smem:$0x3FFB];
	_ =	sdelay $0x3  }
0x93: {  	_ =	strace s4  }
0x94: {  	s4 =	sld [smem:$0x3FFC];
	_ =	sdelay $0x3  }
0x95: {  	_ =	strace s4  }
0x96: {  	s4 =	sld [smem:$0x3FFD];
	_ =	sdelay $0x3  }
0x97: {  	_ =	strace s4  }
0x98: {  	_ =	strace $0x8FFFFFFF  }
0x99: {  	s19 =	sld [smem:$0x3FDB];
	_ =	sdelay $0x1  }
0x9a: {  	s5 =	simm.s32 $_scs_section_size  }
0x9b: {  	s6 =	simm.s32 $_size__tile_overlayer_lowered;
	s7 =	simm.s32 $_tile_overlayer_lowered  }
0x9c: {  	s22 =	simm.s32 $0x1BFF;
	s21 =	sshll.u32 s7, $0x1;
	s4 =	sadd.s32 s5, s19  }
0x9d: {  	s8 =	simm.s32 $0x0;
	s20 =	sshll.u32 s6, $0x1;
	s6 =	sadd.s32 s21, s4  }
0x9e: {  	[timem:s8], [sflag:s22] =	dma.local [hbm:s6], s20  }
0x9f: {  	_ =	swait.ge [sflag:s22], s20  }
0xa0: {  	s5 =	ssub.s32 $0x0, s20;
	[sflag:s22] =	ssyncset.done $0x0  }
0xa1: {  	[sflag:s22] =	ssyncadd.s32 s5;
	_ =	sdelay $0x1  }
0xa2: {  	s23 =	simm.s32 $0x1B8B  }
0xa3: {  	_ =	swait.ge [sflag:s23], $0x1  }
0xa4: {  	[sflag:s23] =	ssyncset.done $0x0  }
0xa5: {  	s25 =	simm.s32 $0x1B8E;
	s24 =	sld [smem:$0x3FFE];
	[sflag:s23] =	ssyncadd.s32 $0xFFFFFFFF  }
0xa6: {  	s26 =	simm.s32 $execute0_lowered;
	[smem:$0x3FD2] =	sst s25  }
0xa7: {  	s6 =	sshll.u32 s26, $0x1;
	_ =	strace $0x80000046;
	[dreg:$0x1] =	wrdreg $0xFFFFFFFF  }
0xa8: {  	s28 =	simm.s32 $_size_execute0_lowered;
	s4 =	sadd.s32 s4, s6;
	[dreg:$0x0] =	wrdreg $0x0  }
0xa9: {  	s6 =	sshll.u32 s28, $0x1;
	[dreg:$0x2] =	wrdreg s4  }
0xaa: {  	[dreg:$0x3] =	wrdreg s6  }
0xab: {  	[dreg:$0x4] =	wrdreg $0xC0  }
0xac: {  	_ =	task [dreg:s8], $0x5FFFF  }
0xad: {  	[dreg:$0x1] =	wrdreg $0xFFFFFFFF  }
0xae: {  	[dreg:$0x0] =	wrdreg $0x60  }
0xaf: {  	[dreg:$0x2] =	wrdreg s2  }
0xb0: {  	[dreg:$0x3] =	wrdreg s18  }
0xb1: {  	[dreg:$0x4] =	wrdreg s24  }
0xb2: {  	[dreg:$0x5] =	wrdreg $0x9  }
0xb3: {  	_ =	task.clear_ibuf [dreg:s8], $0x6FFFF;
	_ =	strace $0x90000046  }
0xb4: {  	s29 =	simm.s32 $0x9;
	_ =	strace $0x80000048  }
0xb5: {  	_ =	swait.ge [sflag:s29], $0x1  }
0xb6: {  	[sflag:s29] =	ssyncadd.s32 $0xFFFFFFFF  }
0xb7: {  	_ =	strace $0x90000048  }
0xb8: {  	_ =	sfence  }
0xb9: {  	s30 =	sld [smem:$0x0];
	_ =	sdelay $0x2  }
0xba: {  	s31 =	sshll.u32 s1, $0xD;
	s1 =	sshrl.u32 s1, $0x2  }
0xbb: {  	s3 =	sand.u32 $0x4000, s31;
	s1 =	sadd.s32 s1, s30  }
0xbc: {  	s0 =	sor.u32 s3, s0;
	s1 =	sshll.u32 s1, $0x11  }
0xbd: {  	s0 =	sor.u32 s1, s0  }
0xbe: {  	s0 =	sadd.s32 $0x8F2B, s0  }
0xbf: {  	[sflag:s0] =	ssyncadd.remote.s32 $0x1  }
0xc0: {  	_ =	sfence.sel $0xFFFF  }
0xc1: {  	[dreg:$0x0] =	wrdreg $0xFFFFFFFF;
	(pc) =	sbr.abs _section_cstart, $3  }
0xc2: {  	[dreg:$0x1] =	wrdreg $0xFFFFFFFF  }
0xc3: {  	_ =	task.clear_ibuf [dreg:s8], $0x2FFFF;
	_ =	strace $0x9FFFFFFF  }
0xc4: {  	(tm) =	ssettm $0x7FFFFFFF  }
0xc5: {  	_ =	shalt  }
tec
execute0_lowered:
.L_overlay_start_1:
0x0: {  	(tag) =	ssettag $0x1  }
0x1: {  	s1 =	rddreg [dreg:$0x0]  }
0x2: {  	s4 =	rddreg [dreg:$0x1]  }
0x3: {  	s5 =	rddreg [dreg:$0x2]  }
0x4: {  	s0 =	rddreg [dreg:$0x3];
	s6 =	srdreg.scid  }
0x5: {  	s2 =	stileid.u32;
	s3 =	simm.s32 $0x0;
	s11 =	simm.s32 $0x600  }
0x6: {  	s12 =	simm.s32 $0x2;
	s13 =	simm.s32 $0x0;
	s6 =	sand.u32 $0x1, s6  }
0x7: {  	s7 =	sshll.u32 s2, $0x1;
	[smem:$0x7FF] =	sst s3;
	s9 =	sshll.u32 s2, $0x7  }
0x8: {  	s7 =	sor.u32 s6, s7;
	_ =	strace $0x80000047;
	s6 =	ssub.s32 $0x2, s6  }
0x9: {  	s9 =	sand.u32 $0x600, s9;
	s8 =	sshll.u32 s7, $0xD;
	s7 =	sshll.u32 s7, $0x4  }
0xa: {  	s10 =	sshrl.u32 s6, $0x1;
	s4 =	sadd.s32 s4, s9;
	s9 =	simm.s32 $0x400  }
0xb: {  	s7 =	sand.u32 $0x70, s7;
	s5 =	sadd.s32 s8, s5;
	s6 =	ssub.s32 s6, s10  }
0xc: {  	v0 =	vlaneseq.u32;
	s8 =	simm.s32 $0x80;
	s10 =	simm.s32 $0x1;
	s4 =	sadd.s32 s7, s4  }
0xd: {  	v1 =	vor.u32 $0x10, v0;
	v2 =	vor.u32 $0x20, v0;
	v3 =	vor.u32 $0x30, v0;
	s5 =	sadd.s32 $0x400, s5;
	s6 =	smax.u32 s6, $0x1;
	s7 =	simm.s32 $0x200  }
.LBB2_1:
0xe: {  	[tilespmem:s7], [sflag:$0x1] =	stream.linear.gather [hbm4b:s1+s3], $0x280, $0x38;
	[tilespmem:$0x10600] =	vst v63  }
0xf: {  	s14 =	simm.s32 $0xF;
	s15 =	simm.s32 $0x1  }
0x10: {  	v4 =	vmov s3;
	[tilespmem:s3], [sflag:$0x1] =	stream.strided.gather [hbm4b:s4+s8], $0x200, s9, s8, $0x38;
	[tilespmem:$0x10600] =	vst v63  }
0x11: {  	s24 =	simm.s32 $0x2;
	v5 =	vmov s14;
	v4 =	vand.u32 $0xFFFFFFF0, v4;
	v6 =	vmov s15;
	_ =	swait.ge [sflag:s10], $0x280  }
0x12: {  	s25 =	simm.s32 $0x3;
	v7 =	vmov s24;
	v4 =	vbroadcast v4, $0x0;
	v6 =	vand.u32 $0xFFFFFFF1, v6;
	[sflag:s10] =	ssyncset.done $0x0  }
0x13: {  	s26 =	simm.s32 $0x4;
	v8 =	vmov s25;
	v7 =	vand.u32 $0xFFFFFFF2, v7;
	v6 =	vbroadcast v6, $0x0;
	[sflag:s10] =	ssyncadd.s32 $0xFFFFFD80  }
0x14: {  	s28 =	simm.s32 $0x5;
	v9 =	vmov s26;
	v8 =	vand.u32 $0xFFFFFFF3, v8;
	v7 =	vbroadcast v7, $0x0;
	_ =	swait.ge [sflag:s10], $0x200  }
0x15: {  	s29 =	simm.s32 $0x6;
	v10 =	vmov s28;
	v9 =	vand.u32 $0xFFFFFFF4, v9;
	v8 =	vbroadcast v8, $0x0;
	[sflag:s10] =	ssyncset.done $0x0  }
0x16: {  	s30 =	simm.s32 $0x7;
	v11 =	vmov s29;
	v10 =	vand.u32 $0xFFFFFFF5, v10;
	v9 =	vbroadcast v9, $0x0;
	[sflag:s10] =	ssyncadd.s32 $0xFFFFFE00  }
0x17: {  	s31 =	simm.s32 $0x8;
	v12 =	vmov s30;
	v11 =	vand.u32 $0xFFFFFFF6, v11;
	v10 =	vbroadcast v10, $0x0;
	v5 =	vld.idx.msk [tilespmem:v5+s3+$0x0], $0xffff  }
0x18: {  	s16 =	simm.s32 $0xA;
	v13 =	vmov s31;
	v12 =	vand.u32 $0xFFFFFFF7, v12;
	v11 =	vbroadcast v11, $0x0;
	v4 =	vld.idx.msk [tilespmem:v4+s3+$0x0], $0xffff  }
0x19: {  	s17 =	simm.s32 $0xB;
	v15 =	vmov s16;
	v14 =	vld.idx.msk [tilespmem:v6+s3+$0x0], $0xffff;
	v6 =	vbroadcast v12, $0x0;
	v12 =	vand.u32 $0xFFFFFFF8, v13  }
0x1a: {  	s15 =	simm.s32 $0x9;
	v16 =	vmov s17;
	v15 =	vand.u32 $0xFFFFFFFA, v15;
	v7 =	vld.idx.msk [tilespmem:v7+s3+$0x0], $0xffff;
	v12 =	vbroadcast v12, $0x0  }
0x1b: {  	s18 =	simm.s32 $0xE;
	v16 =	vand.u32 $0xFFFFFFFB, v16;
	v15 =	vbroadcast v15, $0x0;
	v13 =	vmov s15;
	v8 =	vld.idx.msk [tilespmem:v8+s3+$0x0], $0xffff  }
0x1c: {  	s19 =	simm.s32 $0xC;
	v17 =	vmov s18;
	v16 =	vbroadcast v16, $0x0;
	v9 =	vld.idx.msk [tilespmem:v9+s3+$0x0], $0xffff;
	v13 =	vand.u32 $0xFFFFFFF9, v13  }
0x1d: {  	v18 =	vmov s19;
	v17 =	vand.u32 $0xFFFFFFFE, v17;
	v10 =	vld.idx.msk [tilespmem:v10+s3+$0x0], $0xffff;
	v13 =	vbroadcast v13, $0x0  }
0x1e: {  	s20 =	simm.s32 $0xD;
	v18 =	vand.u32 $0xFFFFFFFC, v18;
	v17 =	vbroadcast v17, $0x0;
	v11 =	vld.idx.msk [tilespmem:v11+s3+$0x0], $0xffff  }
0x1f: {  	v19 =	vmov s20;
	v18 =	vbroadcast v18, $0x0;
	v20 =	vld.idx.msk [tilespmem:v6+s3+$0x0], $0xffff  }
0x20: {  	v5 =	vshll.u32 v5, $0x7;
	v6 =	vand.u32 $0xFFFFFFFD, v19;
	v19 =	vld.idx.msk [tilespmem:v12+s3+$0x0], $0xffff  }
0x21: {  	v12 =	vbroadcast v6, $0x0;
	v6 =	vshll.u32 v4, $0x7;
	v4 =	vld.idx.msk [tilespmem:v15+s3+$0x0], $0xffff;
	v15 =	vor.u32 v0, v5  }
0x22: {  	v23 =	vld.idx.msk [tilespmem:v16+s3+$0x0], $0xffff  }
0x23: {  	v21 =	vld.idx.msk [tilespmem:v13+s3+$0x0], $0xffff;
	v22 =	vor.u32 v0, v6;
	v13 =	vshll.u32 v14, $0x7  }
0x24: {  	v17 =	vld.idx.msk [tilespmem:v17+s3+$0x0], $0xffff;
	v14 =	vshll.u32 v7, $0x7;
	v16 =	vor.u32 v0, v13  }
0x25: {  	v25 =	vld.idx.msk [tilespmem:v18+s3+$0x0], $0xffff;
	v7 =	vshll.u32 v8, $0x7;
	v24 =	vor.u32 v0, v14  }
0x26: {  	v8 =	vshll.u32 v9, $0x7;
	v18 =	vor.u32 v0, v7;
	v28 =	vld.idx.msk [tilespmem:v15+s7+$0x0], $0xffff  }
0x27: {  	v9 =	vshll.u32 v10, $0x7;
	v27 =	vor.u32 v0, v8;
	v26 =	vld.idx.msk [tilespmem:v12+s3+$0x0], $0xffff  }
0x28: {  	v11 =	vshll.u32 v11, $0x7;
	v10 =	vor.u32 v0, v9;
	v22 =	vld.idx.msk [tilespmem:v22+s7+$0x0], $0xffff  }
0x29: {  	v30 =	vshll.u32 v17, $0x7;
	v15 =	vor.u32 v0, v11;
	v29 =	vld.idx.msk [tilespmem:v16+s7+$0x0], $0xffff  }
0x2a: {  	v32 =	vor.u32 v0, v30;
	v12 =	vshll.u32 v20, $0x7;
	v20 =	vld.idx.msk [tilespmem:v24+s7+$0x0], $0xffff  }
0x2b: {  	v24 =	vor.u32 v0, v12;
	v31 =	vld.idx.msk [tilespmem:v18+s7+$0x0], $0xffff;
	v16 =	vshll.u32 v19, $0x7  }
0x2c: {  	v27 =	vld.idx.msk [tilespmem:v27+s7+$0x0], $0xffff;
	v18 =	vshll.u32 v21, $0x7;
	v33 =	vor.u32 v0, v16  }
0x2d: {  	v21 =	vld.idx.msk [tilespmem:v10+s7+$0x0], $0xffff;
	v19 =	vshll.u32 v4, $0x7;
	v34 =	vor.u32 v0, v18  }
0x2e: {  	v35 =	vor.u32 v0, v19;
	v4 =	vld.idx.msk [tilespmem:v15+s7+$0x0], $0xffff  }
0x2f: {  	v37 =	vor.u32 v1, v13;
	v10 =	vshll.u32 v26, $0x7;
	v26 =	vld.idx.msk [tilespmem:v32+s7+$0x0], $0xffff  }
0x30: {  	v17 =	vshll.u32 v23, $0x7;
	v38 =	vor.u32 v1, v14;
	v23 =	vld.idx.msk [tilespmem:v24+s7+$0x0], $0xffff  }
0x31: {  	v39 =	vor.u32 v1, v7;
	v60 =	vld.idx.msk [tilespmem:v33+s7+$0x0], $0xffff  }
0x32: {  	s14 =	simm.s32 $0xA00;
	v40 =	vor.u32 v1, v8;
	v15 =	vshll.u32 v25, $0x7;
	v34 =	vld.idx.msk [tilespmem:v34+s7+$0x0], $0xffff  }
0x33: {  	v25 =	vor.u32 v0, v15;
	[tilespmem:s14+$0xFFFFFC80] =	vst v29;
	v35 =	vld.idx.msk [tilespmem:v35+s7+$0x0], $0xffff  }
0x34: {  	v24 =	vor.u32 v0, v17;
	[tilespmem:s14+$0xFFFFFD00] =	vst v20;
	v63 =	vld.idx.msk [tilespmem:v37+s7+$0x0], $0xffff  }
0x35: {  	v61 =	vor.u32 v0, v10;
	[tilespmem:s14+$0xFFFFFD80] =	vst v31;
	v44 =	vld.idx.msk [tilespmem:v38+s7+$0x0], $0xffff  }
0x36: {  	v36 =	vor.u32 v1, v30;
	[tilespmem:s14+$0xFFFFFE00] =	vst v27;
	v46 =	vld.idx.msk [tilespmem:v39+s7+$0x0], $0xffff  }
0x37: {  	v20 =	vor.u32 v1, v11;
	v47 =	vld.idx.msk [tilespmem:v40+s7+$0x0], $0xffff  }
0x38: {  	[tilespmem:s14+$0xFFFFFC00] =	vst v22;
	v27 =	vor.u32 v1, v12;
	v25 =	vld.idx.msk [tilespmem:v25+s7+$0x0], $0xffff  }
0x39: {  	v51 =	vor.u32 v1, v6;
	[tilespmem:s14+$0xFFFFFE80] =	vst v21;
	v24 =	vld.idx.msk [tilespmem:v24+s7+$0x0], $0xffff  }
0x3a: {  	v21 =	vor.u32 v1, v16;
	[tilespmem:s14+$0x300] =	vst v26;
	v33 =	vld.idx.msk [tilespmem:v61+s7+$0x0], $0xffff  }
0x3b: {  	v48 =	vor.u32 v1, v19;
	[tilespmem:s14+$0xFFFFFF00] =	vst v4;
	v62 =	vld.idx.msk [tilespmem:v36+s7+$0x0], $0xffff  }
0x3c: {  	v22 =	vor.u32 v2, v7;
	v20 =	vld.idx.msk [tilespmem:v20+s7+$0x0], $0xffff;
	[tilespmem:s14+$0xFFFFFF80] =	vst v23  }
0x3d: {  	v53 =	vor.u32 v2, v8;
	v27 =	vld.idx.msk [tilespmem:v27+s7+$0x0], $0xffff;
	[tilespmem:s14+$0x0] =	vst v60  }
0x3e: {  	v4 =	vor.u32 v1, v18;
	[tilespmem:s14+$0x80] =	vst v34;
	v34 =	vld.idx.msk [tilespmem:v51+s7+$0x0], $0xffff  }
0x3f: {  	v26 =	vor.u32 v1, v9;
	[tilespmem:s14+$0x100] =	vst v35;
	v21 =	vld.idx.msk [tilespmem:v21+s7+$0x0], $0xffff  }
0x40: {  	v49 =	vor.u32 v1, v15;
	[tilespmem:s14+$0xFFFFFD90] =	vst v46;
	v35 =	vld.idx.msk [tilespmem:v48+s7+$0x0], $0xffff  }
0x41: {  	v45 =	vor.u32 v2, v30;
	[tilespmem:s14+$0xFFFFFE10] =	vst v47;
	v22 =	vld.idx.msk [tilespmem:v22+s7+$0x0], $0xffff  }
0x42: {  	[tilespmem:s14+$0x380] =	vst v28;
	v23 =	vor.u32 v1, v17;
	v28 =	vld.idx.msk [tilespmem:v53+s7+$0x0], $0xffff  }
0x43: {  	v55 =	vor.u32 v2, v11;
	v50 =	vld.idx.msk [tilespmem:v4+s7+$0x0], $0xffff  }
0x44: {  	v56 =	vor.u32 v2, v12;
	v26 =	vld.idx.msk [tilespmem:v26+s7+$0x0], $0xffff;
	[tilespmem:s14+$0x200] =	vst v25  }
0x45: {  	v59 =	vor.u32 v2, v6;
	[tilespmem:s14+$0x310] =	vst v62;
	v31 =	vld.idx.msk [tilespmem:v49+s7+$0x0], $0xffff  }
0x46: {  	v4 =	vor.u32 v1, v10;
	[tilespmem:s14+$0x180] =	vst v24;
	v29 =	vld.idx.msk [tilespmem:v45+s7+$0x0], $0xffff  }
0x47: {  	v7 =	vor.u32 v3, v7;
	[tilespmem:s14+$0xFFFFFF10] =	vst v20;
	v23 =	vld.idx.msk [tilespmem:v23+s7+$0x0], $0xffff  }
0x48: {  	v8 =	vor.u32 v3, v8;
	v37 =	vld.idx.msk [tilespmem:v55+s7+$0x0], $0xffff;
	[tilespmem:s14+$0xFFFFFF90] =	vst v27  }
0x49: {  	v25 =	vor.u32 v2, v13;
	[tilespmem:s14+$0xFFFFFC10] =	vst v34;
	v38 =	vld.idx.msk [tilespmem:v56+s7+$0x0], $0xffff  }
0x4a: {  	v24 =	vor.u32 v1, v5;
	[tilespmem:s14+$0x280] =	vst v33;
	v61 =	vld.idx.msk [tilespmem:v59+s7+$0x0], $0xffff  }
0x4b: {  	v54 =	vor.u32 v2, v9;
	[tilespmem:s14+$0xFFFFFDA0] =	vst v22;
	v33 =	vld.idx.msk [tilespmem:v4+s7+$0x0], $0xffff  }
0x4c: {  	v20 =	vor.u32 v2, v19;
	[tilespmem:s14+$0xFFFFFE20] =	vst v28;
	v62 =	vld.idx.msk [tilespmem:v7+s7+$0x0], $0xffff  }
0x4d: {  	v52 =	vor.u32 v2, v14;
	[tilespmem:s14+$0xFFFFFC90] =	vst v63;
	v28 =	vld.idx.msk [tilespmem:v8+s7+$0x0], $0xffff  }
0x4e: {  	v30 =	vor.u32 v3, v30;
	[tilespmem:s14+$0x10] =	vst v21;
	v25 =	vld.idx.msk [tilespmem:v25+s7+$0x0], $0xffff  }
0x4f: {  	v27 =	vor.u32 v2, v17;
	[tilespmem:s14+$0xFFFFFE90] =	vst v26;
	v24 =	vld.idx.msk [tilespmem:v24+s7+$0x0], $0xffff  }
0x50: {  	v21 =	vor.u32 v2, v15;
	[tilespmem:s14+$0x110] =	vst v35;
	v36 =	vld.idx.msk [tilespmem:v54+s7+$0x0], $0xffff  }
0x51: {  	s21 =	simm.s32 $0x1F;
	v11 =	vor.u32 v3, v11;
	[tilespmem:s14+$0xFFFFFD10] =	vst v44;
	v20 =	vld.idx.msk [tilespmem:v20+s7+$0x0], $0xffff  }
0x52: {  	v4 =	vmov s21;
	[tilespmem:s14+$0x320] =	vst v29;
	v29 =	vld.idx.msk [tilespmem:v52+s7+$0x0], $0xffff  }
0x53: {  	v12 =	vor.u32 v3, v12;
	[tilespmem:s14+$0x190] =	vst v23;
	v30 =	vld.idx.msk [tilespmem:v30+s7+$0x0], $0xffff  }
0x54: {  	v26 =	vor.u32 v2, v18;
	[tilespmem:s14+$0x210] =	vst v31;
	v27 =	vld.idx.msk [tilespmem:v27+s7+$0x0], $0xffff  }
0x55: {  	v57 =	vor.u32 v2, v16;
	[tilespmem:s14+$0xFFFFFF20] =	vst v37;
	v21 =	vld.idx.msk [tilespmem:v21+s7+$0x0], $0xffff  }
0x56: {  	v14 =	vor.u32 v3, v14;
	[tilespmem:s14+$0x90] =	vst v50;
	v8 =	vld.idx.msk [tilespmem:v11+s7+$0x0], $0xffff  }
0x57: {  	v13 =	vor.u32 v3, v13;
	[tilespmem:s14+$0xFFFFFFA0] =	vst v38;
	v4 =	vld.idx.msk [tilespmem:v4+s3+$0x0], $0xffff  }
0x58: {  	v9 =	vor.u32 v3, v9;
	v7 =	vld.idx.msk [tilespmem:v12+s7+$0x0], $0xffff;
	[tilespmem:s14+$0xFFFFFCA0] =	vst v25  }
0x59: {  	v58 =	vor.u32 v2, v10;
	v26 =	vld.idx.msk [tilespmem:v26+s7+$0x0], $0xffff;
	[tilespmem:s14+$0xFFFFFD20] =	vst v29  }
0x5a: {  	v23 =	vor.u32 v2, v5;
	[tilespmem:s14+$0x330] =	vst v30;
	v30 =	vld.idx.msk [tilespmem:v57+s7+$0x0], $0xffff  }
0x5b: {  	[tilespmem:s14+$0x390] =	vst v24;
	v25 =	vld.idx.msk [tilespmem:v14+s7+$0x0], $0xffff;
	v14 =	vor.u32 v3, v18  }
0x5c: {  	s15 =	simm.s32 $0x10;
	v24 =	vld.idx.msk [tilespmem:v13+s7+$0x0], $0xffff;
	v13 =	vor.u32 v3, v16;
	[tilespmem:s14+$0xFFFFFEA0] =	vst v36  }
0x5d: {  	[tilespmem:s14+$0x290] =	vst v33;
	v16 =	vor.u32 v3, v19;
	v63 =	vld.idx.msk [tilespmem:v9+s7+$0x0], $0xffff;
	v9 =	vmov s15  }
0x5e: {  	v11 =	vor.u32 v3, v17;
	v12 =	vor.u32 v3, v15;
	v60 =	vld.idx.msk [tilespmem:v58+s7+$0x0], $0xffff;
	v15 =	vand.u32 $0xFFFFFFF0, v9  }
0x5f: {  	v23 =	vld.idx.msk [tilespmem:v23+s7+$0x0], $0xffff;
	v15 =	vbroadcast v15, $0x0;
	[tilespmem:s14+$0xA0] =	vst v26  }
0x60: {  	s16 =	simm.s32 $0x11;
	v18 =	vor.u32 v3, v6;
	[tilespmem:s14+$0x20] =	vst v30;
	v6 =	vld.idx.msk [tilespmem:v14+s7+$0x0], $0xffff  }
0x61: {  	s17 =	simm.s32 $0x12;
	[tilespmem:s14+$0x120] =	vst v20;
	v9 =	vld.idx.msk [tilespmem:v13+s7+$0x0], $0xffff;
	v13 =	vor.u32 v3, v10;
	v10 =	vmov s16  }
0x62: {  	s22 =	simm.s32 $0x13;
	v17 =	vmov s17;
	[tilespmem:s14+$0x1A0] =	vst v27;
	v14 =	vand.u32 $0xFFFFFFF1, v10;
	v10 =	vld.idx.msk [tilespmem:v16+s7+$0x0], $0xffff;
	v16 =	vor.u32 v3, v5  }
0x63: {  	s23 =	simm.s32 $0x14;
	[tilespmem:s14+$0x220] =	vst v21;
	v11 =	vld.idx.msk [tilespmem:v11+s7+$0x0], $0xffff;
	v5 =	vand.u32 $0xFFFFFFF2, v17;
	v19 =	vbroadcast v14, $0x0;
	v14 =	vmov s22  }
0x64: {  	s24 =	simm.s32 $0x15;
	[tilespmem:s14+$0xFFFFFC20] =	vst v61;
	v12 =	vld.idx.msk [tilespmem:v12+s7+$0x0], $0xffff;
	v26 =	vbroadcast v5, $0x0;
	v5 =	vand.u32 $0xFFFFFFF3, v14;
	v14 =	vmov s23  }
0x65: {  	s25 =	simm.s32 $0x16;
	[tilespmem:s14+$0x2A0] =	vst v60;
	v15 =	vld.idx.msk [tilespmem:v15+s3+$0x0], $0xffff;
	v27 =	vbroadcast v5, $0x0;
	v5 =	vand.u32 $0xFFFFFFF4, v14;
	v14 =	vmov s24  }
0x66: {  	s26 =	simm.s32 $0x17;
	[tilespmem:s14+$0xFFFFFDB0] =	vst v62;
	v21 =	vmov s25;
	v13 =	vld.idx.msk [tilespmem:v13+s7+$0x0], $0xffff;
	v5 =	vbroadcast v5, $0x0;
	v17 =	vand.u32 $0xFFFFFFF5, v14  }
0x67: {  	s28 =	simm.s32 $0x18;
	[tilespmem:s14+$0x3A0] =	vst v23;
	v14 =	vld.idx.msk [tilespmem:v18+s7+$0x0], $0xffff;
	v18 =	vmov s26;
	v20 =	vbroadcast v17, $0x0;
	v17 =	vand.u32 $0xFFFFFFF6, v21  }
0x68: {  	s29 =	simm.s32 $0x19;
	[tilespmem:s14+$0xFFFFFE30] =	vst v28;
	v23 =	vmov s28;
	v16 =	vld.idx.msk [tilespmem:v16+s7+$0x0], $0xffff;
	v18 =	vand.u32 $0xFFFFFFF7, v18;
	v21 =	vbroadcast v17, $0x0  }
0x69: {  	s30 =	simm.s32 $0x1A;
	[tilespmem:s14+$0xFFFFFCB0] =	vst v24;
	v24 =	vmov s29;
	v22 =	vbroadcast v18, $0x0;
	v17 =	vld.idx.msk [tilespmem:v19+s3+$0x0], $0xffff;
	v19 =	vand.u32 $0xFFFFFFF8, v23  }
0x6a: {  	s31 =	simm.s32 $0x1B;
	v24 =	vand.u32 $0xFFFFFFF9, v24;
	[tilespmem:s14+$0xFFFFFD30] =	vst v25;
	v25 =	vmov s30;
	v18 =	vld.idx.msk [tilespmem:v26+s3+$0x0], $0xffff;
	v23 =	vbroadcast v19, $0x0  }
0x6b: {  	s17 =	simm.s32 $0x1E;
	[tilespmem:s14+$0xFFFFFEB0] =	vst v63;
	v24 =	vbroadcast v24, $0x0;
	v25 =	vand.u32 $0xFFFFFFFA, v25;
	s16 =	simm.s32 $0x20;
	v26 =	vmov s31;
	v19 =	vld.idx.msk [tilespmem:v27+s3+$0x0], $0xffff  }
.LBB2_2:
0x6c: {  	p0 =	slt.u32 s16, $0x1F0;
	v27 =	vld.idx.msk [tilespmem:v5+s3+$0x0], $0xffff;
	v25 =	vbroadcast v25, $0x0;
	v5 =	vand.u32 $0xFFFFFFFB, v26;
	s18 =	sadd.s32 $0xC, s15;
	v26 =	vmov s17;
	[tilespmem:s14+$0xFFFFFF30] =	vst v8  }
0x6d: {  	s17 =	sadd.s32 $0xD, s15;
	s15 =	smov.u32 s16;
	v20 =	vld.idx.msk [tilespmem:v20+s3+$0x0], $0xffff;
	v8 =	vbroadcast v5, $0x0;
	v5 =	vmov s18;
	v26 =	vand.u32 $0xFFFFFFFE, v26;
	[tilespmem:s14+$0xFFFFFFB0] =	vst v7  }
0x6e: {  	v7 =	vmov s17;
	v21 =	vld.idx.msk [tilespmem:v21+s3+$0x0], $0xffff;
	v5 =	vand.u32 $0xFFFFFFFC, v5;
	v26 =	vbroadcast v26, $0x0;
	[tilespmem:s14+$0x30] =	vst v9  }
0x6f: {  	v22 =	vld.idx.msk [tilespmem:v22+s3+$0x0], $0xffff;
	v28 =	vbroadcast v5, $0x0;
	v5 =	vand.u32 $0xFFFFFFFD, v7;
	[tilespmem:s14+$0xB0] =	vst v6  }
0x70: {  	v23 =	vld.idx.msk [tilespmem:v23+s3+$0x0], $0xffff;
	v29 =	vbroadcast v5, $0x0;
	[tilespmem:s14+$0x130] =	vst v10  }
0x71: {  	v5 =	vshll.u32 v4, $0x7;
	v10 =	vld.idx.msk [tilespmem:v24+s3+$0x0], $0xffff;
	[tilespmem:s14+$0x1B0] =	vst v11  }
0x72: {  	v6 =	vshll.u32 v15, $0x7;
	v15 =	vor.u32 v0, v5;
	v4 =	vld.idx.msk [tilespmem:v25+s3+$0x0], $0xffff;
	[tilespmem:s14+$0x230] =	vst v12  }
0x73: {  	v7 =	vshll.u32 v17, $0x7;
	v24 =	vor.u32 v0, v6;
	v25 =	vld.idx.msk [tilespmem:v8+s3+$0x0], $0xffff;
	[tilespmem:s14+$0x2B0] =	vst v13  }
0x74: {  	v17 =	vor.u32 v0, v7;
	v8 =	vshll.u32 v18, $0x7;
	v18 =	vld.idx.msk [tilespmem:v26+s3+$0x0], $0xffff;
	[tilespmem:s14+$0xFFFFFC30] =	vst v14  }
0x75: {  	v9 =	vshll.u32 v19, $0x7;
	v26 =	vor.u32 v0, v8;
	v28 =	vld.idx.msk [tilespmem:v28+s3+$0x0], $0xffff;
	[tilespmem:s14+$0x3B0] =	vst v16  }
0x76: {  	v11 =	vshll.u32 v27, $0x7;
	v16 =	vor.u32 v0, v9;
	v27 =	vld.idx.msk [tilespmem:v29+s3+$0x0], $0xffff  }
0x77: {  	v19 =	vor.u32 v0, v11;
	v12 =	vshll.u32 v20, $0x7;
	v20 =	vld.idx.msk [tilespmem:v15+s7+$0x0], $0xffff  }
0x78: {  	v13 =	vshll.u32 v21, $0x7;
	v29 =	vor.u32 v0, v12;
	v24 =	vld.idx.msk [tilespmem:v24+s7+$0x0], $0xffff  }
0x79: {  	v30 =	vor.u32 v0, v13;
	v14 =	vshll.u32 v22, $0x7;
	v21 =	vld.idx.msk [tilespmem:v17+s7+$0x0], $0xffff  }
0x7a: {  	v31 =	vshll.u32 v18, $0x7;
	v22 =	vld.idx.msk [tilespmem:v26+s7+$0x0], $0xffff;
	v26 =	vor.u32 v0, v14  }
0x7b: {  	v15 =	vshll.u32 v23, $0x7;
	v23 =	vor.u32 v0, v31;
	v32 =	vld.idx.msk [tilespmem:v16+s7+$0x0], $0xffff  }
0x7c: {  	v34 =	vor.u32 v0, v15;
	v17 =	vshll.u32 v10, $0x7;
	v33 =	vld.idx.msk [tilespmem:v19+s7+$0x0], $0xffff  }
0x7d: {  	v18 =	vshll.u32 v4, $0x7;
	v35 =	vor.u32 v0, v17;
	v29 =	vld.idx.msk [tilespmem:v29+s7+$0x0], $0xffff  }
0x7e: {  	v19 =	vshll.u32 v25, $0x7;
	v4 =	vld.idx.msk [tilespmem:v30+s7+$0x0], $0xffff;
	v30 =	vor.u32 v0, v18  }
0x7f: {  	v16 =	vshll.u32 v28, $0x7;
	v25 =	vld.idx.msk [tilespmem:v26+s7+$0x0], $0xffff;
	v26 =	vor.u32 v0, v19  }
0x80: {  	v10 =	vshll.u32 v27, $0x7;
	v28 =	vor.u32 v0, v16;
	v23 =	vld.idx.msk [tilespmem:v23+s7+$0x0], $0xffff  }
0x81: {  	v27 =	vld.idx.msk [tilespmem:v34+s7+$0x0], $0xffff;
	v34 =	vor.u32 v0, v10  }
0x82: {  	v36 =	vor.u32 v1, v31;
	v35 =	vld.idx.msk [tilespmem:v35+s7+$0x0], $0xffff  }
0x83: {  	v37 =	vor.u32 v1, v7;
	v30 =	vld.idx.msk [tilespmem:v30+s7+$0x0], $0xffff  }
0x84: {  	v38 =	vor.u32 v1, v8;
	v26 =	vld.idx.msk [tilespmem:v26+s7+$0x0], $0xffff  }
0x85: {  	v39 =	vor.u32 v1, v9;
	s14 =	sadd.s32 $0x800, s14;
	v28 =	vld.idx.msk [tilespmem:v28+s7+$0x0], $0xffff  }
0x86: {  	v40 =	vor.u32 v1, v11;
	v34 =	vld.idx.msk [tilespmem:v34+s7+$0x0], $0xffff;
	[tilespmem:s14+$0x300] =	vst v23  }
0x87: {  	[tilespmem:s14+$0xFFFFFC80] =	vst v21;
	v21 =	vor.u32 v1, v12;
	v23 =	vld.idx.msk [tilespmem:v36+s7+$0x0], $0xffff  }
0x88: {  	v36 =	vld.idx.msk [tilespmem:v37+s7+$0x0], $0xffff;
	[tilespmem:s14+$0xFFFFFD00] =	vst v22;
	v22 =	vor.u32 v1, v13  }
0x89: {  	v37 =	vld.idx.msk [tilespmem:v38+s7+$0x0], $0xffff;
	[tilespmem:s14+$0xFFFFFD80] =	vst v32;
	v32 =	vor.u32 v2, v31  }
0x8a: {  	v38 =	vld.idx.msk [tilespmem:v39+s7+$0x0], $0xffff;
	[tilespmem:s14+$0xFFFFFE00] =	vst v33;
	v33 =	vor.u32 v1, v14  }
0x8b: {  	v39 =	vld.idx.msk [tilespmem:v40+s7+$0x0], $0xffff;
	[tilespmem:s14+$0xFFFFFE80] =	vst v29;
	v29 =	vor.u32 v1, v15  }
0x8c: {  	v21 =	vld.idx.msk [tilespmem:v21+s7+$0x0], $0xffff;
	[tilespmem:s14+$0xFFFFFF00] =	vst v4;
	v4 =	vor.u32 v1, v17  }
0x8d: {  	v40 =	vor.u32 v1, v18;
	v22 =	vld.idx.msk [tilespmem:v22+s7+$0x0], $0xffff;
	[tilespmem:s14+$0x310] =	vst v23  }
0x8e: {  	v23 =	vor.u32 v1, v19;
	[tilespmem:s14+$0xFFFFFF80] =	vst v25;
	v25 =	vld.idx.msk [tilespmem:v32+s7+$0x0], $0xffff  }
0x8f: {  	v32 =	vld.idx.msk [tilespmem:v33+s7+$0x0], $0xffff;
	[tilespmem:s14+$0x0] =	vst v27;
	v27 =	vor.u32 v1, v16  }
0x90: {  	v31 =	vor.u32 v3, v31;
	v29 =	vld.idx.msk [tilespmem:v29+s7+$0x0], $0xffff;
	[tilespmem:s14+$0x80] =	vst v35  }
0x91: {  	v33 =	vld.idx.msk [tilespmem:v4+s7+$0x0], $0xffff;
	[tilespmem:s14+$0x100] =	vst v30;
	v4 =	vor.u32 v1, v10  }
0x92: {  	v30 =	vor.u32 v1, v6;
	v35 =	vld.idx.msk [tilespmem:v40+s7+$0x0], $0xffff;
	[tilespmem:s14+$0x180] =	vst v26  }
0x93: {  	v26 =	vor.u32 v1, v5;
	v23 =	vld.idx.msk [tilespmem:v23+s7+$0x0], $0xffff;
	[tilespmem:s14+$0x200] =	vst v28  }
0x94: {  	v28 =	vor.u32 v2, v7;
	v27 =	vld.idx.msk [tilespmem:v27+s7+$0x0], $0xffff;
	[tilespmem:s14+$0x320] =	vst v25  }
0x95: {  	v25 =	vor.u32 v2, v8;
	[tilespmem:s14+$0x280] =	vst v34;
	v31 =	vld.idx.msk [tilespmem:v31+s7+$0x0], $0xffff  }
0x96: {  	s17 =	sadd.s32 $0xF, s16;
	[tilespmem:s14+$0xFFFFFC00] =	vst v24;
	v24 =	vor.u32 v2, v9;
	v34 =	vld.idx.msk [tilespmem:v4+s7+$0x0], $0xffff  }
0x97: {  	v4 =	vmov s17;
	v30 =	vld.idx.msk [tilespmem:v30+s7+$0x0], $0xffff;
	[tilespmem:s14+$0x380] =	vst v20  }
0x98: {  	v20 =	vor.u32 v2, v11;
	[tilespmem:s14+$0xFFFFFC90] =	vst v36;
	v26 =	vld.idx.msk [tilespmem:v26+s7+$0x0], $0xffff  }
0x99: {  	v36 =	vor.u32 v2, v12;
	v28 =	vld.idx.msk [tilespmem:v28+s7+$0x0], $0xffff;
	[tilespmem:s14+$0xFFFFFD10] =	vst v37  }
0x9a: {  	v37 =	vor.u32 v2, v13;
	v25 =	vld.idx.msk [tilespmem:v25+s7+$0x0], $0xffff;
	[tilespmem:s14+$0xFFFFFD90] =	vst v38  }
0x9b: {  	v38 =	vor.u32 v2, v14;
	v24 =	vld.idx.msk [tilespmem:v24+s7+$0x0], $0xffff;
	[tilespmem:s14+$0x330] =	vst v31  }
0x9c: {  	v31 =	vor.u32 v2, v15;
	v4 =	vld.idx.msk [tilespmem:v4+s3+$0x0], $0xffff;
	[tilespmem:s14+$0xFFFFFE10] =	vst v39  }
0x9d: {  	v20 =	vld.idx.msk [tilespmem:v20+s7+$0x0], $0xffff;
	[tilespmem:s14+$0xFFFFFE90] =	vst v21;
	v21 =	vor.u32 v2, v17  }
0x9e: {  	v36 =	vld.idx.msk [tilespmem:v36+s7+$0x0], $0xffff;
	[tilespmem:s14+$0xFFFFFF10] =	vst v22;
	v22 =	vor.u32 v2, v18  }
0x9f: {  	v37 =	vld.idx.msk [tilespmem:v37+s7+$0x0], $0xffff;
	[tilespmem:s14+$0xFFFFFF90] =	vst v32;
	v32 =	vor.u32 v2, v19  }
0xa0: {  	v38 =	vld.idx.msk [tilespmem:v38+s7+$0x0], $0xffff;
	[tilespmem:s14+$0x10] =	vst v29;
	v29 =	vor.u32 v2, v16  }
0xa1: {  	v31 =	vld.idx.msk [tilespmem:v31+s7+$0x0], $0xffff;
	[tilespmem:s14+$0x90] =	vst v33;
	v33 =	vor.u32 v2, v10  }
0xa2: {  	v39 =	vor.u32 v2, v6;
	v21 =	vld.idx.msk [tilespmem:v21+s7+$0x0], $0xffff;
	[tilespmem:s14+$0x110] =	vst v35  }
0xa3: {  	v22 =	vld.idx.msk [tilespmem:v22+s7+$0x0], $0xffff;
	[tilespmem:s14+$0x190] =	vst v23;
	v23 =	vor.u32 v2, v5  }
0xa4: {  	v7 =	vor.u32 v3, v7;
	v32 =	vld.idx.msk [tilespmem:v32+s7+$0x0], $0xffff;
	[tilespmem:s14+$0x210] =	vst v27  }
0xa5: {  	v8 =	vor.u32 v3, v8;
	v27 =	vld.idx.msk [tilespmem:v29+s7+$0x0], $0xffff;
	[tilespmem:s14+$0x290] =	vst v34  }
0xa6: {  	v9 =	vor.u32 v3, v9;
	[tilespmem:s14+$0xFFFFFC10] =	vst v30;
	v29 =	vld.idx.msk [tilespmem:v33+s7+$0x0], $0xffff  }
0xa7: {  	v11 =	vor.u32 v3, v11;
	v30 =	vld.idx.msk [tilespmem:v39+s7+$0x0], $0xffff;
	[tilespmem:s14+$0x390] =	vst v26  }
0xa8: {  	v12 =	vor.u32 v3, v12;
	[tilespmem:s14+$0xFFFFFCA0] =	vst v28;
	v23 =	vld.idx.msk [tilespmem:v23+s7+$0x0], $0xffff  }
0xa9: {  	v26 =	vld.idx.msk [tilespmem:v7+s7+$0x0], $0xffff;
	[tilespmem:s14+$0xFFFFFD20] =	vst v25;
	v7 =	vor.u32 v3, v13  }
0xaa: {  	v13 =	vor.u32 v3, v14;
	v25 =	vld.idx.msk [tilespmem:v8+s7+$0x0], $0xffff;
	[tilespmem:s14+$0xFFFFFDA0] =	vst v24  }
0xab: {  	v24 =	vld.idx.msk [tilespmem:v9+s7+$0x0], $0xffff;
	[tilespmem:s14+$0xFFFFFE20] =	vst v20;
	v9 =	vor.u32 v3, v15  }
0xac: {  	v28 =	vld.idx.msk [tilespmem:v11+s7+$0x0], $0xffff;
	[tilespmem:s14+$0xFFFFFEA0] =	vst v36;
	v11 =	vor.u32 v3, v17  }
0xad: {  	v33 =	vld.idx.msk [tilespmem:v12+s7+$0x0], $0xffff;
	[tilespmem:s14+$0xFFFFFF20] =	vst v37;
	v12 =	vor.u32 v3, v18  }
0xae: {  	v14 =	vor.u32 v3, v19;
	v8 =	vld.idx.msk [tilespmem:v7+s7+$0x0], $0xffff;
	[tilespmem:s14+$0xFFFFFFA0] =	vst v38  }
0xaf: {  	v15 =	vmov s16;
	v7 =	vld.idx.msk [tilespmem:v13+s7+$0x0], $0xffff;
	[tilespmem:s14+$0x20] =	vst v31;
	v13 =	vor.u32 v3, v16  }
0xb0: {  	s18 =	sadd.s32 $0x2, s16;
	s17 =	sadd.s32 $0x1, s16;
	v15 =	vand.u32 $0xFFFFFFF0, v15;
	v16 =	vor.u32 v3, v10;
	v9 =	vld.idx.msk [tilespmem:v9+s7+$0x0], $0xffff;
	[tilespmem:s14+$0xA0] =	vst v21  }
0xb1: {  	v17 =	vmov s18;
	v18 =	vor.u32 v3, v6;
	v10 =	vmov s17;
	v6 =	vld.idx.msk [tilespmem:v11+s7+$0x0], $0xffff;
	[tilespmem:s14+$0x120] =	vst v22  }
0xb2: {  	v19 =	vor.u32 v3, v5;
	v15 =	vbroadcast v15, $0x0;
	s17 =	sadd.s32 $0x3, s16;
	v11 =	vand.u32 $0xFFFFFFF1, v10;
	v10 =	vld.idx.msk [tilespmem:v12+s7+$0x0], $0xffff;
	[tilespmem:s14+$0x1A0] =	vst v32  }
0xb3: {  	v5 =	vand.u32 $0xFFFFFFF2, v17;
	v22 =	vbroadcast v11, $0x0;
	v12 =	vmov s17;
	s17 =	sadd.s32 $0x4, s16;
	v11 =	vld.idx.msk [tilespmem:v14+s7+$0x0], $0xffff;
	[tilespmem:s14+$0x220] =	vst v27  }
0xb4: {  	v27 =	vbroadcast v5, $0x0;
	v5 =	vand.u32 $0xFFFFFFF3, v12;
	v14 =	vmov s17;
	s17 =	sadd.s32 $0x5, s16;
	v12 =	vld.idx.msk [tilespmem:v13+s7+$0x0], $0xffff;
	[tilespmem:s14+$0x2A0] =	vst v29  }
0xb5: {  	v29 =	vbroadcast v5, $0x0;
	v5 =	vand.u32 $0xFFFFFFF4, v14;
	v14 =	vmov s17;
	s17 =	sadd.s32 $0x6, s16;
	[tilespmem:s14+$0xFFFFFC20] =	vst v30;
	v13 =	vld.idx.msk [tilespmem:v16+s7+$0x0], $0xffff  }
0xb6: {  	v5 =	vbroadcast v5, $0x0;
	v16 =	vand.u32 $0xFFFFFFF5, v14;
	v17 =	vmov s17;
	s17 =	sadd.s32 $0x7, s16;
	v14 =	vld.idx.msk [tilespmem:v18+s7+$0x0], $0xffff;
	[tilespmem:s14+$0x3A0] =	vst v23  }
.Ltmp0:
0xb7: {  	v20 =	vbroadcast v16, $0x0;
	v17 =	vand.u32 $0xFFFFFFF6, v17;
	v18 =	vmov s17;
	s17 =	sadd.s32 $0x8, s16;
	[tilespmem:s14+$0xFFFFFCB0] =	vst v26;
	v16 =	vld.idx.msk [tilespmem:v19+s7+$0x0], $0xffff;
	(pc) =	sbr.rel @p0 .LBB2_2-.Ltmp0, $4  }
0xb8: {  	v21 =	vbroadcast v17, $0x0;
	v18 =	vand.u32 $0xFFFFFFF7, v18;
	v19 =	vmov s17;
	s17 =	sadd.s32 $0x9, s16;
	v15 =	vld.idx.msk [tilespmem:v15+s3+$0x0], $0xffff;
	[tilespmem:s14+$0xFFFFFD30] =	vst v25  }
0xb9: {  	v19 =	vand.u32 $0xFFFFFFF8, v19;
	v25 =	vmov s17;
	s17 =	sadd.s32 $0xA, s16;
	v17 =	vld.idx.msk [tilespmem:v22+s3+$0x0], $0xffff;
	v22 =	vbroadcast v18, $0x0;
	[tilespmem:s14+$0xFFFFFDB0] =	vst v24  }
0xba: {  	v23 =	vbroadcast v19, $0x0;
	v24 =	vand.u32 $0xFFFFFFF9, v25;
	v25 =	vmov s17;
	s17 =	sadd.s32 $0xB, s16;
	v18 =	vld.idx.msk [tilespmem:v27+s3+$0x0], $0xffff;
	[tilespmem:s14+$0xFFFFFE30] =	vst v28  }
0xbb: {  	s16 =	sadd.s32 $0x10, s16;
	v24 =	vbroadcast v24, $0x0;
	v25 =	vand.u32 $0xFFFFFFFA, v25;
	v26 =	vmov s17;
	s17 =	sadd.s32 $0xE, s15;
	v19 =	vld.idx.msk [tilespmem:v29+s3+$0x0], $0xffff;
	[tilespmem:s14+$0xFFFFFEB0] =	vst v33  }
0xbc: {  	_ =	sdelay $0x3  }
0xbd: {  	v27 =	vmov s17;
	s16 =	sadd.s32 $0xC, s15;
	v28 =	vld.idx.msk [tilespmem:v5+s3+$0x0], $0xffff;
	v25 =	vbroadcast v25, $0x0;
	v5 =	vand.u32 $0xFFFFFFFB, v26  }
0xbe: {  	v20 =	vld.idx.msk [tilespmem:v20+s3+$0x0], $0xffff;
	v27 =	vand.u32 $0xFFFFFFFE, v27;
	v42 =	vmov s16;
	v29 =	vbroadcast v5, $0x0  }
0xbf: {  	s30 =	sadd.s32 $0xD, s15;
	v21 =	vld.idx.msk [tilespmem:v21+s3+$0x0], $0xffff;
	v27 =	vbroadcast v27, $0x0;
	v5 =	vand.u32 $0xFFFFFFFC, v42  }
0xc0: {  	v22 =	vld.idx.msk [tilespmem:v22+s3+$0x0], $0xffff;
	v43 =	vmov s30;
	v30 =	vbroadcast v5, $0x0  }
0xc1: {  	v23 =	vld.idx.msk [tilespmem:v23+s3+$0x0], $0xffff;
	[tilespmem:s14+$0xFFFFFFB0] =	vst v7;
	v5 =	vand.u32 $0xFFFFFFFD, v43;
	v7 =	vshll.u32 v18, $0x7  }
0xc2: {  	v24 =	vld.idx.msk [tilespmem:v24+s3+$0x0], $0xffff;
	v26 =	vbroadcast v5, $0x0;
	v46 =	vor.u32 v0, v7  }
0xc3: {  	v5 =	vshll.u32 v17, $0x7;
	v25 =	vld.idx.msk [tilespmem:v25+s3+$0x0], $0xffff  }
0xc4: {  	[tilespmem:s14+$0xFFFFFF30] =	vst v8;
	v8 =	vshll.u32 v19, $0x7;
	v31 =	vor.u32 v0, v5;
	v45 =	vld.idx.msk [tilespmem:v29+s3+$0x0], $0xffff  }
0xc5: {  	[tilespmem:s14+$0xB0] =	vst v6;
	v48 =	vor.u32 v0, v8;
	v6 =	vshll.u32 v28, $0x7;
	v27 =	vld.idx.msk [tilespmem:v27+s3+$0x0], $0xffff  }
0xc6: {  	[tilespmem:s14+$0x130] =	vst v10;
	v10 =	vshll.u32 v20, $0x7;
	v28 =	vor.u32 v0, v6;
	v47 =	vld.idx.msk [tilespmem:v30+s3+$0x0], $0xffff  }
0xc7: {  	[tilespmem:s14+$0x30] =	vst v9;
	v9 =	vshll.u32 v21, $0x7;
	v20 =	vor.u32 v0, v10;
	v51 =	vld.idx.msk [tilespmem:v46+s7+$0x0], $0xffff  }
0xc8: {  	[tilespmem:s14+$0x1B0] =	vst v11;
	v11 =	vshll.u32 v22, $0x7;
	v50 =	vor.u32 v0, v9;
	v26 =	vld.idx.msk [tilespmem:v26+s3+$0x0], $0xffff  }
0xc9: {  	[tilespmem:s14+$0x230] =	vst v12;
	v12 =	vshll.u32 v23, $0x7;
	v32 =	vor.u32 v0, v11;
	v49 =	vld.idx.msk [tilespmem:v31+s7+$0x0], $0xffff  }
0xca: {  	[tilespmem:s14+$0x2B0] =	vst v13;
	v4 =	vshll.u32 v4, $0x7;
	v54 =	vor.u32 v0, v12;
	v30 =	vld.idx.msk [tilespmem:v48+s7+$0x0], $0xffff  }
0xcb: {  	[tilespmem:s14+$0xFFFFFC30] =	vst v14;
	v35 =	vor.u32 v0, v4;
	v13 =	vshll.u32 v24, $0x7;
	v53 =	vld.idx.msk [tilespmem:v28+s7+$0x0], $0xffff  }
0xcc: {  	[tilespmem:s14+$0x3B0] =	vst v16;
	s31 =	sadd.s32 $0x800, s14;
	v24 =	vor.u32 v0, v13;
	v20 =	vld.idx.msk [tilespmem:v20+s7+$0x0], $0xffff  }
0xcd: {  	v15 =	vshll.u32 v15, $0x7;
	v37 =	vor.u32 v1, v7;
	v55 =	vld.idx.msk [tilespmem:v50+s7+$0x0], $0xffff;
	[tilespmem:s31+$0xFFFFFD00] =	vst v51  }
0xce: {  	v33 =	vor.u32 v0, v15;
	v59 =	vld.idx.msk [tilespmem:v32+s7+$0x0], $0xffff;
	[tilespmem:s31+$0xFFFFFC80] =	vst v49  }
0xcf: {  	v36 =	vor.u32 v1, v5;
	v61 =	vld.idx.msk [tilespmem:v54+s7+$0x0], $0xffff;
	[tilespmem:s31+$0xFFFFFD80] =	vst v30  }
0xd0: {  	v38 =	vor.u32 v1, v8;
	v14 =	vshll.u32 v25, $0x7;
	v25 =	vld.idx.msk [tilespmem:v35+s7+$0x0], $0xffff;
	[tilespmem:s31+$0xFFFFFE00] =	vst v53  }
0xd1: {  	v56 =	vor.u32 v0, v14;
	v24 =	vld.idx.msk [tilespmem:v24+s7+$0x0], $0xffff;
	[tilespmem:s31+$0xFFFFFE80] =	vst v20  }
0xd2: {  	v40 =	vor.u32 v1, v6;
	v22 =	vld.idx.msk [tilespmem:v37+s7+$0x0], $0xffff;
	[tilespmem:s31+$0xFFFFFF00] =	vst v55  }
0xd3: {  	v42 =	vor.u32 v1, v9;
	[tilespmem:s31+$0xFFFFFF80] =	vst v59;
	v20 =	vld.idx.msk [tilespmem:v33+s7+$0x0], $0xffff  }
0xd4: {  	v43 =	vor.u32 v1, v11;
	v16 =	vshll.u32 v45, $0x7;
	[tilespmem:s31+$0x0] =	vst v61;
	v19 =	vld.idx.msk [tilespmem:v36+s7+$0x0], $0xffff  }
0xd5: {  	v57 =	vor.u32 v0, v16;
	v18 =	vshll.u32 v26, $0x7;
	v26 =	vld.idx.msk [tilespmem:v38+s7+$0x0], $0xffff;
	[tilespmem:s31+$0x380] =	vst v25  }
0xd6: {  	v46 =	vor.u32 v1, v13;
	v27 =	vshll.u32 v27, $0x7;
	v34 =	vld.idx.msk [tilespmem:v56+s7+$0x0], $0xffff;
	[tilespmem:s31+$0x80] =	vst v24  }
0xd7: {  	v44 =	vor.u32 v0, v27;
	v45 =	vld.idx.msk [tilespmem:v40+s7+$0x0], $0xffff;
	[tilespmem:s31+$0xFFFFFD10] =	vst v22  }
0xd8: {  	v63 =	vor.u32 v0, v18;
	v48 =	vld.idx.msk [tilespmem:v42+s7+$0x0], $0xffff;
	[tilespmem:s31+$0xFFFFFC00] =	vst v20  }
0xd9: {  	v50 =	vld.idx.msk [tilespmem:v43+s7+$0x0], $0xffff;
	v56 =	vor.u32 v1, v4;
	[tilespmem:s31+$0xFFFFFC90] =	vst v19  }
0xda: {  	v61 =	vor.u32 v2, v8;
	v21 =	vld.idx.msk [tilespmem:v57+s7+$0x0], $0xffff;
	[tilespmem:s31+$0xFFFFFD90] =	vst v26  }
0xdb: {  	v41 =	vor.u32 v1, v10;
	v53 =	vld.idx.msk [tilespmem:v46+s7+$0x0], $0xffff;
	[tilespmem:s31+$0x100] =	vst v34  }
0xdc: {  	v37 =	vor.u32 v2, v11;
	v17 =	vld.idx.msk [tilespmem:v44+s7+$0x0], $0xffff;
	[tilespmem:s31+$0xFFFFFE10] =	vst v45  }
0xdd: {  	v49 =	vor.u32 v1, v16;
	v23 =	vld.idx.msk [tilespmem:v63+s7+$0x0], $0xffff;
	[tilespmem:s31+$0xFFFFFF10] =	vst v48  }
0xde: {  	v52 =	vor.u32 v1, v27;
	[tilespmem:s31+$0xFFFFFF90] =	vst v50;
	v32 =	vld.idx.msk [tilespmem:v56+s7+$0x0], $0xffff  }
0xdf: {  	v44 =	vor.u32 v1, v12;
	v38 =	vld.idx.msk [tilespmem:v61+s7+$0x0], $0xffff;
	[tilespmem:s31+$0x180] =	vst v21  }
0xe0: {  	v63 =	vor.u32 v2, v6;
	v21 =	vld.idx.msk [tilespmem:v41+s7+$0x0], $0xffff;
	[tilespmem:s31+$0x90] =	vst v53  }
0xe1: {  	v35 =	vor.u32 v2, v9;
	v46 =	vld.idx.msk [tilespmem:v37+s7+$0x0], $0xffff;
	[tilespmem:s31+$0x300] =	vst v17  }
0xe2: {  	v41 =	vor.u32 v2, v13;
	v57 =	vld.idx.msk [tilespmem:v49+s7+$0x0], $0xffff;
	[tilespmem:s31+$0x280] =	vst v23  }
0xe3: {  	v8 =	vor.u32 v3, v8;
	v58 =	vld.idx.msk [tilespmem:v52+s7+$0x0], $0xffff;
	[tilespmem:s31+$0x390] =	vst v32  }
0xe4: {  	v17 =	vshll.u32 v47, $0x7;
	v47 =	vor.u32 v1, v14;
	v23 =	vld.idx.msk [tilespmem:v44+s7+$0x0], $0xffff;
	[tilespmem:s31+$0xFFFFFDA0] =	vst v38  }
0xe5: {  	v33 =	vor.u32 v2, v10;
	v40 =	vld.idx.msk [tilespmem:v63+s7+$0x0], $0xffff;
	[tilespmem:s31+$0xFFFFFE90] =	vst v21  }
0xe6: {  	v62 =	vor.u32 v2, v27;
	v60 =	vor.u32 v0, v17;
	v44 =	vld.idx.msk [tilespmem:v35+s7+$0x0], $0xffff;
	[tilespmem:s31+$0xFFFFFFA0] =	vst v46  }
0xe7: {  	v39 =	vor.u32 v3, v27;
	v52 =	vor.u32 v1, v18;
	v27 =	vld.idx.msk [tilespmem:v41+s7+$0x0], $0xffff;
	[tilespmem:s31+$0x190] =	vst v57  }
0xe8: {  	v45 =	vor.u32 v2, v16;
	v8 =	vld.idx.msk [tilespmem:v8+s7+$0x0], $0xffff;
	[tilespmem:s31+$0x310] =	vst v58  }
0xe9: {  	v55 =	vld.idx.msk [tilespmem:v47+s7+$0x0], $0xffff;
	[tilespmem:s31+$0x10] =	vst v23  }
0xea: {  	v54 =	vor.u32 v1, v15;
	v42 =	vld.idx.msk [tilespmem:v33+s7+$0x0], $0xffff;
	[tilespmem:s31+$0xFFFFFE20] =	vst v40  }
0xeb: {  	v6 =	vor.u32 v3, v6;
	v29 =	vld.idx.msk [tilespmem:v60+s7+$0x0], $0xffff;
	[tilespmem:s31+$0xFFFFFF20] =	vst v44  }
0xec: {  	v9 =	vor.u32 v3, v9;
	v26 =	vld.idx.msk [tilespmem:v52+s7+$0x0], $0xffff;
	[tilespmem:s31+$0xA0] =	vst v27  }
0xed: {  	v13 =	vor.u32 v3, v13;
	v52 =	vld.idx.msk [tilespmem:v45+s7+$0x0], $0xffff;
	[tilespmem:s31+$0xFFFFFDB0] =	vst v8  }
0xee: {  	v58 =	vor.u32 v2, v5;
	v28 =	vld.idx.msk [tilespmem:v62+s7+$0x0], $0xffff;
	[tilespmem:s31+$0x110] =	vst v55  }
0xef: {  	v60 =	vor.u32 v2, v7;
	v62 =	vld.idx.msk [tilespmem:v54+s7+$0x0], $0xffff;
	[tilespmem:s31+$0xFFFFFEA0] =	vst v42  }
0xf0: {  	v43 =	vor.u32 v2, v14;
	v6 =	vld.idx.msk [tilespmem:v6+s7+$0x0], $0xffff;
	[tilespmem:s31+$0x200] =	vst v29  }
0xf1: {  	v10 =	vor.u32 v3, v10;
	v9 =	vld.idx.msk [tilespmem:v9+s7+$0x0], $0xffff;
	[tilespmem:s31+$0x290] =	vst v26  }
0xf2: {  	v51 =	vor.u32 v1, v17;
	v13 =	vld.idx.msk [tilespmem:v13+s7+$0x0], $0xffff;
	[tilespmem:s31+$0x1A0] =	vst v52  }
0xf3: {  	v49 =	vor.u32 v2, v18;
	v34 =	vld.idx.msk [tilespmem:v58+s7+$0x0], $0xffff;
	[tilespmem:s31+$0x320] =	vst v28  }
0xf4: {  	v16 =	vor.u32 v3, v16;
	v36 =	vld.idx.msk [tilespmem:v60+s7+$0x0], $0xffff;
	[tilespmem:s31+$0xFFFFFC10] =	vst v62  }
0xf5: {  	v25 =	vld.idx.msk [tilespmem:v43+s7+$0x0], $0xffff;
	[tilespmem:s31+$0xFFFFFE30] =	vst v6  }
0xf6: {  	v50 =	vor.u32 v2, v15;
	v10 =	vld.idx.msk [tilespmem:v10+s7+$0x0], $0xffff;
	[tilespmem:s31+$0xFFFFFF30] =	vst v9  }
0xf7: {  	v59 =	vld.idx.msk [tilespmem:v51+s7+$0x0], $0xffff;
	v51 =	vor.u32 v2, v4;
	[tilespmem:s31+$0xB0] =	vst v13  }
0xf8: {  	v5 =	vor.u32 v3, v5;
	v54 =	vld.idx.msk [tilespmem:v49+s7+$0x0], $0xffff;
	[tilespmem:s31+$0xFFFFFCA0] =	vst v34  }
0xf9: {  	v7 =	vor.u32 v3, v7;
	v61 =	vld.idx.msk [tilespmem:v16+s7+$0x0], $0xffff;
	[tilespmem:s31+$0xFFFFFD20] =	vst v36  }
0xfa: {  	v24 =	vld.idx.msk [tilespmem:v39+s7+$0x0], $0xffff;
	v39 =	vor.u32 v2, v12;
	[tilespmem:s31+$0x120] =	vst v25  }
0xfb: {  	v47 =	vor.u32 v2, v17;
	v19 =	vld.idx.msk [tilespmem:v50+s7+$0x0], $0xffff;
	[tilespmem:s31+$0xFFFFFEB0] =	vst v10  }
0xfc: {  	v14 =	vor.u32 v3, v14;
	[tilespmem:s31+$0x210] =	vst v59;
	v55 =	vld.idx.msk [tilespmem:v51+s7+$0x0], $0xffff  }
0xfd: {  	v11 =	vor.u32 v3, v11;
	v5 =	vld.idx.msk [tilespmem:v5+s7+$0x0], $0xffff;
	[tilespmem:s31+$0x2A0] =	vst v54  }
0xfe: {  	v7 =	vld.idx.msk [tilespmem:v7+s7+$0x0], $0xffff;
	v59 =	vor.u32 v3, v15;
	[tilespmem:s31+$0x1B0] =	vst v61  }
0xff: {  	v4 =	vor.u32 v3, v4;
	[tilespmem:s31+$0x330] =	vst v24;
	v48 =	vld.idx.msk [tilespmem:v39+s7+$0x0], $0xffff  }
0x100: {  	v12 =	vor.u32 v3, v12;
	v53 =	vld.idx.msk [tilespmem:v47+s7+$0x0], $0xffff;
	[tilespmem:s31+$0xFFFFFC20] =	vst v19  }
0x101: {  	v56 =	vor.u32 v3, v17;
	v60 =	vld.idx.msk [tilespmem:v14+s7+$0x0], $0xffff;
	[tilespmem:s31+$0x3A0] =	vst v55  }
0x102: {  	v58 =	vor.u32 v3, v18;
	[tilespmem:s31+$0xFFFFFCB0] =	vst v5;
	v5 =	vld.idx.msk [tilespmem:v11+s7+$0x0], $0xffff  }
0x103: {  	[tilespmem:s31+$0xFFFFFD30] =	vst v7;
	v63 =	vld.idx.msk [tilespmem:v59+s7+$0x0], $0xffff  }
0x104: {  	[tilespmem:s31+$0x20] =	vst v48;
	v4 =	vld.idx.msk [tilespmem:v4+s7+$0x0], $0xffff  }
0x105: {  	[tilespmem:s31+$0x220] =	vst v53;
	v57 =	vld.idx.msk [tilespmem:v12+s7+$0x0], $0xffff  }
0x106: {  	[tilespmem:s31+$0x130] =	vst v60;
	v62 =	vld.idx.msk [tilespmem:v56+s7+$0x0], $0xffff  }
0x107: {  	[tilespmem:s31+$0xFFFFFFB0] =	vst v5;
	v5 =	vld.idx.msk [tilespmem:v58+s7+$0x0], $0xffff  }
0x108: {  	[tilespmem:s31+$0xFFFFFC30] =	vst v63  }
0x109: {  	[tilespmem:s31+$0x3B0] =	vst v4  }
0x10a: {  	s13 =	sadd.s32 $0x1, s13;
	[tilespmem:s31+$0x30] =	vst v57  }
0x10b: {  	p0 =	sne.s32 s13, s6;
	[tilespmem:s31+$0x230] =	vst v62  }
.Ltmp1:
0x10c: {  	[tilespmem:s31+$0x2B0] =	vst v5;
	(pc) =	sbr.rel @p0 .LBB2_1-.Ltmp1, $4  }
0x10d: {  	[hbm4b:s5+s3] =	stream.linear.scatter [tilespmem:s11], [sflag:$0x2], $0x10000, $0x38;
	[tilespmem:$0x10600] =	vst v63  }
0x10e: {  	_ =	swait.ge [sflag:s12], $0x10000  }
0x10f: {  	[sflag:s12] =	ssyncset.done $0x0  }
0x110: {  	[sflag:s12] =	ssyncadd.s32 $0xFFFF0000  }
0x111: {  	_ =	sfence.sel $0x180000  }
0x112: {  	[bflag:$0x0] =	sbarrier.arrive $0xFFFF  }
0x113: {  	p0 =	sne.s32 s2, $0x0;
	_ =	strace $0x90000047  }
0x114: {  	s0 =	sadd.s32 @!p0 $0x100000, s0;
	[bflag:$0x2] =	sbarrier.arrive $0xFFFF  }
0x115: {  	[sflag:s0] =	ssyncadd.tile.s32 @!p0 $0x1;
	_ =	shalt  }
.Lfunc_end2:
_tile_overlayer_lowered:
.L_overlay_start_2:
0x116: {  	(tag) =	ssettag $0x2  }
0x117: {  	s0 =	rddreg [dreg:$0x0];
	s2 =	stileid.u32  }
0x118: {  	s1 =	rddreg [dreg:$0x1];
	p0 =	sne.s32 s2, $0x0  }
0x119: {  	s3 =	rddreg [dreg:$0x2];
	[bflag:$0x3] =	sbarrier.arrive $0xFFFF;
	s2 =	simm.s32 @!p0 $0x1C02  }
0x11a: {  	[timem:s3], [sflag:s2] =	dma.local @!p0 [hbm:s0], s1  }
0x11b: {  	s0 =	simm.s32 @!p0 $0x2  }
0x11c: {  	_ =	swait.ge @!p0 [sflag:s0], s1  }
0x11d: {  	s1 =	ssub.s32 @!p0 $0x0, s1;
	[sflag:s0] =	ssyncset.done @!p0 $0x0  }
0x11e: {  	[sflag:s0] =	ssyncadd.s32 @!p0 s1  }
0x11f: {  	[bflag:$0x3] =	sbarrier.arrive $0xFFFF  }
0x120: {  	_ =	shalt  }

</sc_bundles>
